<compile_context>
chip_gen: v7x
topology: tpu7x:2x2x1
jax: 0.10.2.dev20260603
libtpu: 0.0.44.dev20260713+nightly
codegen_flags: <defaults>
</compile_context>

<pallas_src>
import jax
import jax.numpy as jnp
from jax import lax
from jax.experimental import pallas as pl
from jax.experimental.pallas import tpu as pltpu
from jax.experimental.pallas import tpu_sc as plsc

_BATCH = 16384
_N_FIELDS = 26
_NW = 32
_BPW = _BATCH // _NW
_IPW = _BPW * _N_FIELDS
_CHUNK = 128
_CPF = _BPW // _CHUNK
_L = 16


def _sc_body(idxT_hbm, wT_hbm, out_hbm, idx_v, g_v, out_v, sem):
    wid = lax.axis_index("s") * 2 + lax.axis_index("c")
    col0 = pl.multiple_of(wid * _BPW, _BPW)

    pltpu.sync_copy(idxT_hbm.at[:, pl.ds(col0, _BPW)], idx_v)

    w_flat = wT_hbm.at[0]

    def gather_step(f, _):
        for c in range(_CPF):
            off = pl.multiple_of(f * _BPW + c * _CHUNK, _CHUNK)
            pltpu.async_copy(
                w_flat.at[idx_v.at[f, pl.ds(c * _CHUNK, _CHUNK)]],
                g_v.at[pl.ds(off, _CHUNK)],
                sem,
            )
        return 0

    lax.fori_loop(0, _N_FIELDS, gather_step, 0)

    pltpu.make_async_copy(
        w_flat.at[pl.ds(0, _IPW)], g_v, sem
    ).wait()

    def reduce_step(g, _):
        base = pl.multiple_of(g * _L, _L)
        acc = g_v[pl.ds(base, _L)]
        for f in range(1, _N_FIELDS):
            acc = acc + g_v[pl.ds(f * _BPW + base, _L)]
        out_v[pl.ds(base, _L)] = acc
        return 0

    lax.fori_loop(0, _BPW // _L, reduce_step, 0)

    pltpu.sync_copy(out_v, out_hbm.at[0, pl.ds(col0, _BPW)])


@jax.jit
def _run(idxT, wT):
    mesh = plsc.VectorSubcoreMesh(core_axis_name="c", subcore_axis_name="s")
    return pl.kernel(
        _sc_body,
        out_type=jax.ShapeDtypeStruct((1, _BATCH), jnp.float32),
        mesh=mesh,
        scratch_types=[
            pltpu.VMEM((_N_FIELDS, _BPW), jnp.int32),
            pltpu.VMEM((_IPW,), jnp.float32),
            pltpu.VMEM((_BPW,), jnp.float32),
            pltpu.SemaphoreType.DMA,
        ],
    )(idxT, wT)


def kernel(inputs, w):
    out = _run(inputs.T, w.T)
    return out.reshape(_BATCH, 1)

# --- scband reference (transcript-rebuilt; emitter-appended) ---
"""Pipeline reference for scband-linear-69045894250565 (READ-ONLY COPY).

The authoritative reference and input builder live on the scoring server;
editing this copy changes nothing except your own understanding.
"""

import jax, jax.numpy as jnp
import numpy as np

FEATURE_LENGTH = 1000000
BATCH = 16384
N_FIELDS = 26

def setup_inputs(seed: int = 0) -> dict:
    key = jax.random.key(seed)
    k1, k2 = jax.random.split(key)
    inputs = jax.random.randint(k1, (BATCH, N_FIELDS), 0, FEATURE_LENGTH, dtype=jnp.int64 if jax.config.jax_enable_x64 else jnp.int32).astype(jnp.int32)
    w = jax.random.normal(k2, (FEATURE_LENGTH, 1), dtype=jnp.float32) * 0.01
    return {"inputs": inputs, "w": w}

def reference(inputs, w):
    # tf.nn.embedding_lookup(w, inputs) -> [B, n_fields, 1]
    gathered = jnp.take(w, inputs, axis=0)
    # tf.reduce_sum(..., axis=1) -> [B, 1]
    result = jnp.sum(gathered, axis=1)
    return result

if __name__ == "__main__":
    import jax
    _d = setup_inputs()
    print(jax.jit(kernel)(*tuple(_d.values())))

</pallas_src>

<mosaic_0001>
#map = affine_map<(d0, d1) -> (0, 0)>
module attributes {stable_mosaic.version = 14 : i64} {
  func.func @_sc_body(%arg0: i32, %arg1: i32, %arg2: memref<26x16384xi32, #tpu.memory_space<hbm>>, %arg3: memref<1x1000000xf32, #tpu.memory_space<hbm>>, %arg4: memref<1x16384xf32, #tpu.memory_space<hbm>>, %arg5: memref<26x512xi32, #tpu.memory_space<vmem>>, %arg6: memref<13312xf32, #tpu.memory_space<vmem>>, %arg7: memref<512xf32, #tpu.memory_space<vmem>>, %arg8: memref<!tpu.dma_semaphore, #tpu.memory_space<semaphore_mem>>) attributes {dimension_semantics = [#tpu.dimension_semantics<core_parallel>, #tpu.dimension_semantics<subcore_parallel>], iteration_bounds = array<i64: 2, 16>, scalar_prefetch = 0 : i64, scratch_operands = 4 : i64, tpu.core_type = #tpu.core_type<sc_vector_subcore>, window_params = [{transform_indices = #map}, {transform_indices = #map}, {transform_indices = #map}]} {
    %mul3A = arith.constant 2 : i32
    %mul3A_0 = arith.muli %arg1, %mul3A : i32
    %add3A = arith.addi %mul3A_0, %arg0 : i32
    %mul3A_1 = arith.constant 512 : i32
    %mul3A_2 = arith.muli %add3A, %mul3A_1 : i32
    %multiple_of3A = tpu.assume_multiple %mul3A_2, 512 : i32
    "tpu.region"() ({
      %run_scoped3A_27 = tpu.sem_alloc : memref<!tpu.dma_semaphore, #tpu.memory_space<semaphore_mem>>
      %dma_start3A = arith.constant 0 : i32
      %dma_start3A_28 = tpu.memref_slice %arg2[%dma_start3A, %multiple_of3A] : memref<26x16384xi32, #tpu.memory_space<hbm>> -> memref<26x512xi32, #tpu.memory_space<hbm>>
      %dma_start3A_29 = arith.constant 0 : i32
      %dma_start3A_30 = tpu.memref_slice %arg2[%dma_start3A_29, %multiple_of3A] : memref<26x16384xi32, #tpu.memory_space<hbm>> -> memref<26x512xi32, #tpu.memory_space<hbm>>
      tpu.enqueue_dma source(%dma_start3A_30 : memref<26x512xi32, #tpu.memory_space<hbm>>) target(%arg5 : memref<26x512xi32, #tpu.memory_space<vmem>>) target_semaphore(%run_scoped3A_27 : memref<!tpu.dma_semaphore, #tpu.memory_space<semaphore_mem>>)
      %dma_wait3A_31 = arith.constant 0 : i32
      %dma_wait3A_32 = tpu.memref_slice %arg2[%dma_wait3A_31, %multiple_of3A] : memref<26x16384xi32, #tpu.memory_space<hbm>> -> memref<26x512xi32, #tpu.memory_space<hbm>>
      %dma_wait3A_33 = arith.constant 0 : i32
      %dma_wait3A_34 = tpu.memref_slice %arg2[%dma_wait3A_33, %multiple_of3A] : memref<26x16384xi32, #tpu.memory_space<hbm>> -> memref<26x512xi32, #tpu.memory_space<hbm>>
      tpu.wait_dma2 semaphore(%run_scoped3A_27 : memref<!tpu.dma_semaphore, #tpu.memory_space<semaphore_mem>>) src(%dma_wait3A_34 : memref<26x512xi32, #tpu.memory_space<hbm>>) dst(%arg5 : memref<26x512xi32, #tpu.memory_space<vmem>>)
      tpu.yield
    }) : () -> ()
    %scan3A = arith.constant 0 : i32
    %scan3A_3 = arith.constant 0 : i32
    %scan3A_4 = arith.constant 0 : i32
    %scan3A_5 = arith.constant 26 : i32
    %scan3A_6 = arith.addi %scan3A_4, %scan3A_5 : i32
    %scan3A_7 = arith.constant 1 : i32
    %scan3A_8 = scf.for %scan3A_27 = %scan3A_4 to %scan3A_6 step %scan3A_7 iter_args(%scan3A_28 = %scan3A_3) -> (i32)  : i32 {
      %mul3A_29 = arith.constant 512 : i32
      %mul3A_30 = arith.muli %scan3A_27, %mul3A_29 : i32
      %add3A_31 = arith.constant 0 : i32
      %add3A_32 = arith.addi %mul3A_30, %add3A_31 : i32
      %multiple_of3A_33 = tpu.assume_multiple %add3A_32, 128 : i32
      %dma_start3A = tpu.memref_slice %arg6[%multiple_of3A_33] : memref<13312xf32, #tpu.memory_space<vmem>> -> memref<128xf32, #tpu.memory_space<vmem>>
      %dma_start3A_34 = arith.constant 0 : i32
      %dma_start3A_35 = tpu.memref_slice %arg5[%scan3A_27, %dma_start3A_34] : memref<26x512xi32, #tpu.memory_space<vmem>> -> memref<1x128xi32, #tpu.memory_space<vmem>>
      %dma_start3A_36 = tpu.memref_squeeze %dma_start3A_35 : memref<1x128xi32, #tpu.memory_space<vmem>> -> memref<128xi32, #tpu.memory_space<vmem>>
      %dma_start3A_37 = arith.constant 0 : i32
      %dma_start3A_38 = tpu.memref_slice %arg3[%scan3A, %dma_start3A_37] : memref<1x1000000xf32, #tpu.memory_space<hbm>> -> memref<1x1000000xf32, #tpu.memory_space<hbm>>
      %dma_start3A_39 = tpu.memref_squeeze %dma_start3A_38 : memref<1x1000000xf32, #tpu.memory_space<hbm>> -> memref<1000000xf32, #tpu.memory_space<hbm>>
      %dma_start3A_40 = arith.constant 0 : i32
      %dma_start3A_41 = tpu.memref_slice %dma_start3A_39[%dma_start3A_40] : memref<1000000xf32, #tpu.memory_space<hbm>> -> memref<1000000xf32, #tpu.memory_space<hbm>>
      tpu.enqueue_indirect_dma source(%dma_start3A_41 : memref<1000000xf32, #tpu.memory_space<hbm>>) target(%dma_start3A : memref<128xf32, #tpu.memory_space<vmem>>) offsets(%dma_start3A_36 : memref<128xi32, #tpu.memory_space<vmem>>) semaphore(%arg8 : memref<!tpu.dma_semaphore, #tpu.memory_space<semaphore_mem>>)
      %mul3A_42 = arith.constant 512 : i32
      %mul3A_43 = arith.muli %scan3A_27, %mul3A_42 : i32
      %add3A_44 = arith.constant 128 : i32
      %add3A_45 = arith.addi %mul3A_43, %add3A_44 : i32
      %multiple_of3A_46 = tpu.assume_multiple %add3A_45, 128 : i32
      %dma_start3A_47 = tpu.memref_slice %arg6[%multiple_of3A_46] : memref<13312xf32, #tpu.memory_space<vmem>> -> memref<128xf32, #tpu.memory_space<vmem>>
      %dma_start3A_48 = arith.constant 128 : i32
      %dma_start3A_49 = tpu.memref_slice %arg5[%scan3A_27, %dma_start3A_48] : memref<26x512xi32, #tpu.memory_space<vmem>> -> memref<1x128xi32, #tpu.memory_space<vmem>>
      %dma_start3A_50 = tpu.memref_squeeze %dma_start3A_49 : memref<1x128xi32, #tpu.memory_space<vmem>> -> memref<128xi32, #tpu.memory_space<vmem>>
      %dma_start3A_51 = arith.constant 0 : i32
      %dma_start3A_52 = tpu.memref_slice %arg3[%scan3A, %dma_start3A_51] : memref<1x1000000xf32, #tpu.memory_space<hbm>> -> memref<1x1000000xf32, #tpu.memory_space<hbm>>
      %dma_start3A_53 = tpu.memref_squeeze %dma_start3A_52 : memref<1x1000000xf32, #tpu.memory_space<hbm>> -> memref<1000000xf32, #tpu.memory_space<hbm>>
      %dma_start3A_54 = arith.constant 0 : i32
      %dma_start3A_55 = tpu.memref_slice %dma_start3A_53[%dma_start3A_54] : memref<1000000xf32, #tpu.memory_space<hbm>> -> memref<1000000xf32, #tpu.memory_space<hbm>>
      tpu.enqueue_indirect_dma source(%dma_start3A_55 : memref<1000000xf32, #tpu.memory_space<hbm>>) target(%dma_start3A_47 : memref<128xf32, #tpu.memory_space<vmem>>) offsets(%dma_start3A_50 : memref<128xi32, #tpu.memory_space<vmem>>) semaphore(%arg8 : memref<!tpu.dma_semaphore, #tpu.memory_space<semaphore_mem>>)
      %mul3A_56 = arith.constant 512 : i32
      %mul3A_57 = arith.muli %scan3A_27, %mul3A_56 : i32
      %add3A_58 = arith.constant 256 : i32
      %add3A_59 = arith.addi %mul3A_57, %add3A_58 : i32
      %multiple_of3A_60 = tpu.assume_multiple %add3A_59, 128 : i32
      %dma_start3A_61 = tpu.memref_slice %arg6[%multiple_of3A_60] : memref<13312xf32, #tpu.memory_space<vmem>> -> memref<128xf32, #tpu.memory_space<vmem>>
      %dma_start3A_62 = arith.constant 256 : i32
      %dma_start3A_63 = tpu.memref_slice %arg5[%scan3A_27, %dma_start3A_62] : memref<26x512xi32, #tpu.memory_space<vmem>> -> memref<1x128xi32, #tpu.memory_space<vmem>>
      %dma_start3A_64 = tpu.memref_squeeze %dma_start3A_63 : memref<1x128xi32, #tpu.memory_space<vmem>> -> memref<128xi32, #tpu.memory_space<vmem>>
      %dma_start3A_65 = arith.constant 0 : i32
      %dma_start3A_66 = tpu.memref_slice %arg3[%scan3A, %dma_start3A_65] : memref<1x1000000xf32, #tpu.memory_space<hbm>> -> memref<1x1000000xf32, #tpu.memory_space<hbm>>
      %dma_start3A_67 = tpu.memref_squeeze %dma_start3A_66 : memref<1x1000000xf32, #tpu.memory_space<hbm>> -> memref<1000000xf32, #tpu.memory_space<hbm>>
      %dma_start3A_68 = arith.constant 0 : i32
      %dma_start3A_69 = tpu.memref_slice %dma_start3A_67[%dma_start3A_68] : memref<1000000xf32, #tpu.memory_space<hbm>> -> memref<1000000xf32, #tpu.memory_space<hbm>>
      tpu.enqueue_indirect_dma source(%dma_start3A_69 : memref<1000000xf32, #tpu.memory_space<hbm>>) target(%dma_start3A_61 : memref<128xf32, #tpu.memory_space<vmem>>) offsets(%dma_start3A_64 : memref<128xi32, #tpu.memory_space<vmem>>) semaphore(%arg8 : memref<!tpu.dma_semaphore, #tpu.memory_space<semaphore_mem>>)
      %mul3A_70 = arith.constant 512 : i32
      %mul3A_71 = arith.muli %scan3A_27, %mul3A_70 : i32
      %add3A_72 = arith.constant 384 : i32
      %add3A_73 = arith.addi %mul3A_71, %add3A_72 : i32
      %multiple_of3A_74 = tpu.assume_multiple %add3A_73, 128 : i32
      %dma_start3A_75 = tpu.memref_slice %arg6[%multiple_of3A_74] : memref<13312xf32, #tpu.memory_space<vmem>> -> memref<128xf32, #tpu.memory_space<vmem>>
      %dma_start3A_76 = arith.constant 384 : i32
      %dma_start3A_77 = tpu.memref_slice %arg5[%scan3A_27, %dma_start3A_76] : memref<26x512xi32, #tpu.memory_space<vmem>> -> memref<1x128xi32, #tpu.memory_space<vmem>>
      %dma_start3A_78 = tpu.memref_squeeze %dma_start3A_77 : memref<1x128xi32, #tpu.memory_space<vmem>> -> memref<128xi32, #tpu.memory_space<vmem>>
      %dma_start3A_79 = arith.constant 0 : i32
      %dma_start3A_80 = tpu.memref_slice %arg3[%scan3A, %dma_start3A_79] : memref<1x1000000xf32, #tpu.memory_space<hbm>> -> memref<1x1000000xf32, #tpu.memory_space<hbm>>
      %dma_start3A_81 = tpu.memref_squeeze %dma_start3A_80 : memref<1x1000000xf32, #tpu.memory_space<hbm>> -> memref<1000000xf32, #tpu.memory_space<hbm>>
      %dma_start3A_82 = arith.constant 0 : i32
      %dma_start3A_83 = tpu.memref_slice %dma_start3A_81[%dma_start3A_82] : memref<1000000xf32, #tpu.memory_space<hbm>> -> memref<1000000xf32, #tpu.memory_space<hbm>>
      tpu.enqueue_indirect_dma source(%dma_start3A_83 : memref<1000000xf32, #tpu.memory_space<hbm>>) target(%dma_start3A_75 : memref<128xf32, #tpu.memory_space<vmem>>) offsets(%dma_start3A_78 : memref<128xi32, #tpu.memory_space<vmem>>) semaphore(%arg8 : memref<!tpu.dma_semaphore, #tpu.memory_space<semaphore_mem>>)
      %scan3A_84 = arith.constant 0 : i32
      scf.yield %scan3A_84 : i32
    }
    %scan3A_9 = arith.constant 26 : i32
    %dma_wait3A = arith.constant 0 : i32
    %dma_wait3A_10 = arith.constant 0 : i32
    %dma_wait3A_11 = tpu.memref_slice %arg3[%dma_wait3A, %dma_wait3A_10] : memref<1x1000000xf32, #tpu.memory_space<hbm>> -> memref<1x1000000xf32, #tpu.memory_space<hbm>>
    %dma_wait3A_12 = tpu.memref_squeeze %dma_wait3A_11 : memref<1x1000000xf32, #tpu.memory_space<hbm>> -> memref<1000000xf32, #tpu.memory_space<hbm>>
    %dma_wait3A_13 = arith.constant 0 : i32
    %dma_wait3A_14 = tpu.memref_slice %dma_wait3A_12[%dma_wait3A_13] : memref<1000000xf32, #tpu.memory_space<hbm>> -> memref<13312xf32, #tpu.memory_space<hbm>>
    %dma_wait3A_15 = arith.constant 0 : i32
    %dma_wait3A_16 = tpu.memref_slice %arg3[%dma_wait3A, %dma_wait3A_15] : memref<1x1000000xf32, #tpu.memory_space<hbm>> -> memref<1x1000000xf32, #tpu.memory_space<hbm>>
    %dma_wait3A_17 = tpu.memref_squeeze %dma_wait3A_16 : memref<1x1000000xf32, #tpu.memory_space<hbm>> -> memref<1000000xf32, #tpu.memory_space<hbm>>
    %dma_wait3A_18 = arith.constant 0 : i32
    %dma_wait3A_19 = tpu.memref_slice %dma_wait3A_17[%dma_wait3A_18] : memref<1000000xf32, #tpu.memory_space<hbm>> -> memref<13312xf32, #tpu.memory_space<hbm>>
    tpu.wait_dma2 semaphore(%arg8 : memref<!tpu.dma_semaphore, #tpu.memory_space<semaphore_mem>>) src(%dma_wait3A_19 : memref<13312xf32, #tpu.memory_space<hbm>>) dst(%arg6 : memref<13312xf32, #tpu.memory_space<vmem>>)
    %scan3A_20 = arith.constant 0 : i32
    %scan3A_21 = arith.constant 0 : i32
    %scan3A_22 = arith.constant 32 : i32
    %scan3A_23 = arith.addi %scan3A_21, %scan3A_22 : i32
    %scan3A_24 = arith.constant 1 : i32
    %scan3A_25 = scf.for %scan3A_27 = %scan3A_21 to %scan3A_23 step %scan3A_24 iter_args(%scan3A_28 = %scan3A_20) -> (i32)  : i32 {
      %mul3A_29 = arith.constant 16 : i32
      %mul3A_30 = arith.muli %scan3A_27, %mul3A_29 : i32
      %multiple_of3A_31 = tpu.assume_multiple %mul3A_30, 16 : i32
      %get3A = arith.index_cast %multiple_of3A_31 : i32 to index
      %get3A_32 = tpu.vector_load %arg6[%get3A] {strides = array<i32>} : memref<13312xf32, #tpu.memory_space<vmem>>, vector<16xf32>,
      %get3A_33 = vector.shape_cast %get3A_32 : vector<16xf32> to vector<16xf32>
      %add3A_34 = arith.constant 512 : i32
      %add3A_35 = arith.addi %add3A_34, %multiple_of3A_31 : i32
      %get3A_36 = arith.index_cast %add3A_35 : i32 to index
      %get3A_37 = tpu.vector_load %arg6[%get3A_36] {strides = array<i32>} : memref<13312xf32, #tpu.memory_space<vmem>>, vector<16xf32>,
      %get3A_38 = vector.shape_cast %get3A_37 : vector<16xf32> to vector<16xf32>
      %add3A_39 = arith.addf %get3A_33, %get3A_38 : vector<16xf32>
      %add3A_40 = arith.constant 1024 : i32
      %add3A_41 = arith.addi %add3A_40, %multiple_of3A_31 : i32
      %get3A_42 = arith.index_cast %add3A_41 : i32 to index
      %get3A_43 = tpu.vector_load %arg6[%get3A_42] {strides = array<i32>} : memref<13312xf32, #tpu.memory_space<vmem>>, vector<16xf32>,
      %get3A_44 = vector.shape_cast %get3A_43 : vector<16xf32> to vector<16xf32>
      %add3A_45 = arith.addf %add3A_39, %get3A_44 : vector<16xf32>
      %add3A_46 = arith.constant 1536 : i32
      %add3A_47 = arith.addi %add3A_46, %multiple_of3A_31 : i32
      %get3A_48 = arith.index_cast %add3A_47 : i32 to index
      %get3A_49 = tpu.vector_load %arg6[%get3A_48] {strides = array<i32>} : memref<13312xf32, #tpu.memory_space<vmem>>, vector<16xf32>,
      %get3A_50 = vector.shape_cast %get3A_49 : vector<16xf32> to vector<16xf32>
      %add3A_51 = arith.addf %add3A_45, %get3A_50 : vector<16xf32>
      %add3A_52 = arith.constant 2048 : i32
      %add3A_53 = arith.addi %add3A_52, %multiple_of3A_31 : i32
      %get3A_54 = arith.index_cast %add3A_53 : i32 to index
      %get3A_55 = tpu.vector_load %arg6[%get3A_54] {strides = array<i32>} : memref<13312xf32, #tpu.memory_space<vmem>>, vector<16xf32>,
      %get3A_56 = vector.shape_cast %get3A_55 : vector<16xf32> to vector<16xf32>
      %add3A_57 = arith.addf %add3A_51, %get3A_56 : vector<16xf32>
      %add3A_58 = arith.constant 2560 : i32
      %add3A_59 = arith.addi %add3A_58, %multiple_of3A_31 : i32
      %get3A_60 = arith.index_cast %add3A_59 : i32 to index
      %get3A_61 = tpu.vector_load %arg6[%get3A_60] {strides = array<i32>} : memref<13312xf32, #tpu.memory_space<vmem>>, vector<16xf32>,
      %get3A_62 = vector.shape_cast %get3A_61 : vector<16xf32> to vector<16xf32>
      %add3A_63 = arith.addf %add3A_57, %get3A_62 : vector<16xf32>
      %add3A_64 = arith.constant 3072 : i32
      %add3A_65 = arith.addi %add3A_64, %multiple_of3A_31 : i32
      %get3A_66 = arith.index_cast %add3A_65 : i32 to index
      %get3A_67 = tpu.vector_load %arg6[%get3A_66] {strides = array<i32>} : memref<13312xf32, #tpu.memory_space<vmem>>, vector<16xf32>,
      %get3A_68 = vector.shape_cast %get3A_67 : vector<16xf32> to vector<16xf32>
      %add3A_69 = arith.addf %add3A_63, %get3A_68 : vector<16xf32>
      %add3A_70 = arith.constant 3584 : i32
      %add3A_71 = arith.addi %add3A_70, %multiple_of3A_31 : i32
      %get3A_72 = arith.index_cast %add3A_71 : i32 to index
      %get3A_73 = tpu.vector_load %arg6[%get3A_72] {strides = array<i32>} : memref<13312xf32, #tpu.memory_space<vmem>>, vector<16xf32>,
      %get3A_74 = vector.shape_cast %get3A_73 : vector<16xf32> to vector<16xf32>
      %add3A_75 = arith.addf %add3A_69, %get3A_74 : vector<16xf32>
      %add3A_76 = arith.constant 4096 : i32
      %add3A_77 = arith.addi %add3A_76, %multiple_of3A_31 : i32
      %get3A_78 = arith.index_cast %add3A_77 : i32 to index
      %get3A_79 = tpu.vector_load %arg6[%get3A_78] {strides = array<i32>} : memref<13312xf32, #tpu.memory_space<vmem>>, vector<16xf32>,
      %get3A_80 = vector.shape_cast %get3A_79 : vector<16xf32> to vector<16xf32>
      %add3A_81 = arith.addf %add3A_75, %get3A_80 : vector<16xf32>
      %add3A_82 = arith.constant 4608 : i32
      %add3A_83 = arith.addi %add3A_82, %multiple_of3A_31 : i32
      %get3A_84 = arith.index_cast %add3A_83 : i32 to index
      %get3A_85 = tpu.vector_load %arg6[%get3A_84] {strides = array<i32>} : memref<13312xf32, #tpu.memory_space<vmem>>, vector<16xf32>,
      %get3A_86 = vector.shape_cast %get3A_85 : vector<16xf32> to vector<16xf32>
      %add3A_87 = arith.addf %add3A_81, %get3A_86 : vector<16xf32>
      %add3A_88 = arith.constant 5120 : i32
      %add3A_89 = arith.addi %add3A_88, %multiple_of3A_31 : i32
      %get3A_90 = arith.index_cast %add3A_89 : i32 to index
      %get3A_91 = tpu.vector_load %arg6[%get3A_90] {strides = array<i32>} : memref<13312xf32, #tpu.memory_space<vmem>>, vector<16xf32>,
      %get3A_92 = vector.shape_cast %get3A_91 : vector<16xf32> to vector<16xf32>
      %add3A_93 = arith.addf %add3A_87, %get3A_92 : vector<16xf32>
      %add3A_94 = arith.constant 5632 : i32
      %add3A_95 = arith.addi %add3A_94, %multiple_of3A_31 : i32
      %get3A_96 = arith.index_cast %add3A_95 : i32 to index
      %get3A_97 = tpu.vector_load %arg6[%get3A_96] {strides = array<i32>} : memref<13312xf32, #tpu.memory_space<vmem>>, vector<16xf32>,
      %get3A_98 = vector.shape_cast %get3A_97 : vector<16xf32> to vector<16xf32>
      %add3A_99 = arith.addf %add3A_93, %get3A_98 : vector<16xf32>
      %add3A_100 = arith.constant 6144 : i32
      %add3A_101 = arith.addi %add3A_100, %multiple_of3A_31 : i32
      %get3A_102 = arith.index_cast %add3A_101 : i32 to index
      %get3A_103 = tpu.vector_load %arg6[%get3A_102] {strides = array<i32>} : memref<13312xf32, #tpu.memory_space<vmem>>, vector<16xf32>,
      %get3A_104 = vector.shape_cast %get3A_103 : vector<16xf32> to vector<16xf32>
      %add3A_105 = arith.addf %add3A_99, %get3A_104 : vector<16xf32>
      %add3A_106 = arith.constant 6656 : i32
      %add3A_107 = arith.addi %add3A_106, %multiple_of3A_31 : i32
      %get3A_108 = arith.index_cast %add3A_107 : i32 to index
      %get3A_109 = tpu.vector_load %arg6[%get3A_108] {strides = array<i32>} : memref<13312xf32, #tpu.memory_space<vmem>>, vector<16xf32>,
      %get3A_110 = vector.shape_cast %get3A_109 : vector<16xf32> to vector<16xf32>
      %add3A_111 = arith.addf %add3A_105, %get3A_110 : vector<16xf32>
      %add3A_112 = arith.constant 7168 : i32
      %add3A_113 = arith.addi %add3A_112, %multiple_of3A_31 : i32
      %get3A_114 = arith.index_cast %add3A_113 : i32 to index
      %get3A_115 = tpu.vector_load %arg6[%get3A_114] {strides = array<i32>} : memref<13312xf32, #tpu.memory_space<vmem>>, vector<16xf32>,
      %get3A_116 = vector.shape_cast %get3A_115 : vector<16xf32> to vector<16xf32>
      %add3A_117 = arith.addf %add3A_111, %get3A_116 : vector<16xf32>
      %add3A_118 = arith.constant 7680 : i32
      %add3A_119 = arith.addi %add3A_118, %multiple_of3A_31 : i32
      %get3A_120 = arith.index_cast %add3A_119 : i32 to index
      %get3A_121 = tpu.vector_load %arg6[%get3A_120] {strides = array<i32>} : memref<13312xf32, #tpu.memory_space<vmem>>, vector<16xf32>,
      %get3A_122 = vector.shape_cast %get3A_121 : vector<16xf32> to vector<16xf32>
      %add3A_123 = arith.addf %add3A_117, %get3A_122 : vector<16xf32>
      %add3A_124 = arith.constant 8192 : i32
      %add3A_125 = arith.addi %add3A_124, %multiple_of3A_31 : i32
      %get3A_126 = arith.index_cast %add3A_125 : i32 to index
      %get3A_127 = tpu.vector_load %arg6[%get3A_126] {strides = array<i32>} : memref<13312xf32, #tpu.memory_space<vmem>>, vector<16xf32>,
      %get3A_128 = vector.shape_cast %get3A_127 : vector<16xf32> to vector<16xf32>
      %add3A_129 = arith.addf %add3A_123, %get3A_128 : vector<16xf32>
      %add3A_130 = arith.constant 8704 : i32
      %add3A_131 = arith.addi %add3A_130, %multiple_of3A_31 : i32
      %get3A_132 = arith.index_cast %add3A_131 : i32 to index
      %get3A_133 = tpu.vector_load %arg6[%get3A_132] {strides = array<i32>} : memref<13312xf32, #tpu.memory_space<vmem>>, vector<16xf32>,
      %get3A_134 = vector.shape_cast %get3A_133 : vector<16xf32> to vector<16xf32>
      %add3A_135 = arith.addf %add3A_129, %get3A_134 : vector<16xf32>
      %add3A_136 = arith.constant 9216 : i32
      %add3A_137 = arith.addi %add3A_136, %multiple_of3A_31 : i32
      %get3A_138 = arith.index_cast %add3A_137 : i32 to index
      %get3A_139 = tpu.vector_load %arg6[%get3A_138] {strides = array<i32>} : memref<13312xf32, #tpu.memory_space<vmem>>, vector<16xf32>,
      %get3A_140 = vector.shape_cast %get3A_139 : vector<16xf32> to vector<16xf32>
      %add3A_141 = arith.addf %add3A_135, %get3A_140 : vector<16xf32>
      %add3A_142 = arith.constant 9728 : i32
      %add3A_143 = arith.addi %add3A_142, %multiple_of3A_31 : i32
      %get3A_144 = arith.index_cast %add3A_143 : i32 to index
      %get3A_145 = tpu.vector_load %arg6[%get3A_144] {strides = array<i32>} : memref<13312xf32, #tpu.memory_space<vmem>>, vector<16xf32>,
      %get3A_146 = vector.shape_cast %get3A_145 : vector<16xf32> to vector<16xf32>
      %add3A_147 = arith.addf %add3A_141, %get3A_146 : vector<16xf32>
      %add3A_148 = arith.constant 10240 : i32
      %add3A_149 = arith.addi %add3A_148, %multiple_of3A_31 : i32
      %get3A_150 = arith.index_cast %add3A_149 : i32 to index
      %get3A_151 = tpu.vector_load %arg6[%get3A_150] {strides = array<i32>} : memref<13312xf32, #tpu.memory_space<vmem>>, vector<16xf32>,
      %get3A_152 = vector.shape_cast %get3A_151 : vector<16xf32> to vector<16xf32>
      %add3A_153 = arith.addf %add3A_147, %get3A_152 : vector<16xf32>
      %add3A_154 = arith.constant 10752 : i32
      %add3A_155 = arith.addi %add3A_154, %multiple_of3A_31 : i32
      %get3A_156 = arith.index_cast %add3A_155 : i32 to index
      %get3A_157 = tpu.vector_load %arg6[%get3A_156] {strides = array<i32>} : memref<13312xf32, #tpu.memory_space<vmem>>, vector<16xf32>,
      %get3A_158 = vector.shape_cast %get3A_157 : vector<16xf32> to vector<16xf32>
      %add3A_159 = arith.addf %add3A_153, %get3A_158 : vector<16xf32>
      %add3A_160 = arith.constant 11264 : i32
      %add3A_161 = arith.addi %add3A_160, %multiple_of3A_31 : i32
      %get3A_162 = arith.index_cast %add3A_161 : i32 to index
      %get3A_163 = tpu.vector_load %arg6[%get3A_162] {strides = array<i32>} : memref<13312xf32, #tpu.memory_space<vmem>>, vector<16xf32>,
      %get3A_164 = vector.shape_cast %get3A_163 : vector<16xf32> to vector<16xf32>
      %add3A_165 = arith.addf %add3A_159, %get3A_164 : vector<16xf32>
      %add3A_166 = arith.constant 11776 : i32
      %add3A_167 = arith.addi %add3A_166, %multiple_of3A_31 : i32
      %get3A_168 = arith.index_cast %add3A_167 : i32 to index
      %get3A_169 = tpu.vector_load %arg6[%get3A_168] {strides = array<i32>} : memref<13312xf32, #tpu.memory_space<vmem>>, vector<16xf32>,
      %get3A_170 = vector.shape_cast %get3A_169 : vector<16xf32> to vector<16xf32>
      %add3A_171 = arith.addf %add3A_165, %get3A_170 : vector<16xf32>
      %add3A_172 = arith.constant 12288 : i32
      %add3A_173 = arith.addi %add3A_172, %multiple_of3A_31 : i32
      %get3A_174 = arith.index_cast %add3A_173 : i32 to index
      %get3A_175 = tpu.vector_load %arg6[%get3A_174] {strides = array<i32>} : memref<13312xf32, #tpu.memory_space<vmem>>, vector<16xf32>,
      %get3A_176 = vector.shape_cast %get3A_175 : vector<16xf32> to vector<16xf32>
      %add3A_177 = arith.addf %add3A_171, %get3A_176 : vector<16xf32>
      %add3A_178 = arith.constant 12800 : i32
      %add3A_179 = arith.addi %add3A_178, %multiple_of3A_31 : i32
      %get3A_180 = arith.index_cast %add3A_179 : i32 to index
      %get3A_181 = tpu.vector_load %arg6[%get3A_180] {strides = array<i32>} : memref<13312xf32, #tpu.memory_space<vmem>>, vector<16xf32>,
      %get3A_182 = vector.shape_cast %get3A_181 : vector<16xf32> to vector<16xf32>
      %add3A_183 = arith.addf %add3A_177, %get3A_182 : vector<16xf32>
      %swap3A = arith.index_cast %multiple_of3A_31 : i32 to index
      %swap3A_184 = tpu.vector_load %arg7[%swap3A] {strides = array<i32>} : memref<512xf32, #tpu.memory_space<vmem>>, vector<16xf32>,
      %swap3A_185 = vector.shape_cast %swap3A_184 : vector<16xf32> to vector<16xf32>
      %swap3A_186 = vector.shape_cast %add3A_183 : vector<16xf32> to vector<16xf32>
      tpu.vector_store %arg7[%swap3A], %swap3A_186 {strides = array<i32>} : memref<512xf32, #tpu.memory_space<vmem>>, vector<16xf32>,
      %scan3A_187 = arith.constant 0 : i32
      scf.yield %scan3A_187 : i32
    }
    %scan3A_26 = arith.constant 32 : i32
    %run_scoped3A = arith.constant 0 : i32
    "tpu.region"() ({
      %run_scoped3A_27 = tpu.sem_alloc : memref<!tpu.dma_semaphore, #tpu.memory_space<semaphore_mem>>
      %dma_start3A = tpu.memref_slice %arg4[%run_scoped3A, %multiple_of3A] : memref<1x16384xf32, #tpu.memory_space<hbm>> -> memref<1x512xf32, #tpu.memory_space<hbm>>
      %dma_start3A_28 = tpu.memref_squeeze %dma_start3A : memref<1x512xf32, #tpu.memory_space<hbm>> -> memref<512xf32, #tpu.memory_space<hbm>>
      %dma_start3A_29 = tpu.memref_slice %arg4[%run_scoped3A, %multiple_of3A] : memref<1x16384xf32, #tpu.memory_space<hbm>> -> memref<1x512xf32, #tpu.memory_space<hbm>>
      %dma_start3A_30 = tpu.memref_squeeze %dma_start3A_29 : memref<1x512xf32, #tpu.memory_space<hbm>> -> memref<512xf32, #tpu.memory_space<hbm>>
      tpu.enqueue_dma source(%arg7 : memref<512xf32, #tpu.memory_space<vmem>>) target(%dma_start3A_30 : memref<512xf32, #tpu.memory_space<hbm>>) target_semaphore(%run_scoped3A_27 : memref<!tpu.dma_semaphore, #tpu.memory_space<semaphore_mem>>)
      %dma_wait3A_31 = tpu.memref_slice %arg4[%run_scoped3A, %multiple_of3A] : memref<1x16384xf32, #tpu.memory_space<hbm>> -> memref<1x512xf32, #tpu.memory_space<hbm>>
      %dma_wait3A_32 = tpu.memref_squeeze %dma_wait3A_31 : memref<1x512xf32, #tpu.memory_space<hbm>> -> memref<512xf32, #tpu.memory_space<hbm>>
      %dma_wait3A_33 = tpu.memref_slice %arg4[%run_scoped3A, %multiple_of3A] : memref<1x16384xf32, #tpu.memory_space<hbm>> -> memref<1x512xf32, #tpu.memory_space<hbm>>
      %dma_wait3A_34 = tpu.memref_squeeze %dma_wait3A_33 : memref<1x512xf32, #tpu.memory_space<hbm>> -> memref<512xf32, #tpu.memory_space<hbm>>
      tpu.wait_dma2 semaphore(%run_scoped3A_27 : memref<!tpu.dma_semaphore, #tpu.memory_space<semaphore_mem>>) src(%arg7 : memref<512xf32, #tpu.memory_space<vmem>>) dst(%dma_wait3A_34 : memref<512xf32, #tpu.memory_space<hbm>>)
      tpu.yield
    }) : () -> ()
    return
  }
}

</mosaic_0001>

<sc_bundles>
// kernel: _run.3.cloned.1.call-start
scs
__scs_entry_jumppad:
0x0: {  	(pc) =	sbr.rel $0x88, $3  }
0x1: {  	(tag) =	ssettag $0x0;
	lr =	simm.s32 $0x1  }
0x2: {  	[smem:$0x3F9F] =	sst lr;
	_ =	strace $0xD0000000  }
0x3: {  	_ = 	snop  }
0x4: {  	_ = 	snop  }
0x5: {  	_ = 	snop  }
0x6: {  	_ = 	snop  }
0x7: {  	_ = 	snop  }
__scs_overlays_trampoline_lowered:
0x8: {  	[smem:$0x3FAE] =	sst s0  }
0x9: {  	[smem:$0x3FAF] =	sst s1  }
0xa: {  	[smem:$0x3FB0] =	sst s2  }
0xb: {  	[smem:$0x3FB1] =	sst s3  }
0xc: {  	[smem:$0x3FB2] =	sst s4  }
0xd: {  	[smem:$0x3FB3] =	sst s5  }
0xe: {  	[smem:$0x3FB4] =	sst s6  }
0xf: {  	[smem:$0x3FB5] =	sst s7  }
0x10: {  	[smem:$0x3FB6] =	sst s8  }
0x11: {  	[smem:$0x3FB7] =	sst s9;
	s0 =	simm.s32 @!p0 $0x0  }
0x12: {  	s1 =	sld [smem:$0x3F9D];
	s0 =	simm.s32 @p0 $0x1  }
0x13: {  	[smem:$0x3FB8] =	sst s0;
	s0 =	simm.s32 @!p1 $0x0  }
0x14: {  	s2 =	sld [smem:$0x3F9C];
	s0 =	simm.s32 @p1 $0x1  }
0x15: {  	[smem:$0x3FB9] =	sst s0;
	s0 =	simm.s32 @!p2 $0x0  }
0x16: {  	s3 =	sld [smem:$0x3FDB];
	s0 =	simm.s32 @p2 $0x1  }
0x17: {  	s4 =	simm.s32 $0x1BF5;
	[smem:$0x3FBB] =	sst s0  }
0x18: {  	s0 =	sld [smem:$0x3F9E];
	_ =	swait.ge [sflag:s4], $0x0  }
0x19: {  	s7 =	sld [smem:$0x3F9F]  }
0x1a: {  	s8 =	sadd.s32 $0xFFFFE003, lr  }
0x1b: {  	s9 =	sadd.s32 $0xFFFFFEF7, lr;
	s5 =	simm.s32 $0xFFFFFFFF;
	p2 =	slt.u32 s8, $0xFFFFF086  }
0x1c: {  	p1 =	slt.u32 s9, $0xF7A;
	s5 =	simm.s32 @!p2 $0x0  }
0x1d: {  	s5 =	simm.s32 @p1 $0x1;
	p0 =	seq.s32 s7, s2  }
0x1e: {  	s7 =	smul.u32 @!p0 $0xF7A, s2;
	p2 =	seq.s32 @!p0 s5, $0x0  }
0x1f: {  	s9 =	smul.u32 $0xF7A, s1;
	s8 =	simm.s32 @!p0 $0x1BF5;
	p2 =	por !p2, p0  }
0x20: {  	[sflag:s8] =	ssyncset.s32 @!p0 $0xFFFFF086;
	s6 =	sadd.s32 @!p0 s3, s7;
	s7 =	simm.s32 @!p0 $0x108  }
0x21: {  	s3 =	sadd.s32 s3, s9;
	s6 =	sadd.s32 @!p0 $0x88, s6;
	s7 =	simm.s32 @p2 $0x1082  }
0x22: {  	[simem:s7], [sflag:s8] =	dma.local @!p0 [hbm:s6], $0xF7A  }
0x23: {  	s9 =	sor.u32 $0xD0000000, s2;
	s6 =	simm.s32 $0x108;
	_ =	swait.ge @!p0 [sflag:s8], $0x0  }
0x24: {  	s3 =	sadd.s32 $0x88, s3;
	s6 =	simm.s32 @!p1 $0x1082;
	[sflag:s4] =	ssyncset.s32 $0xFFFFF086  }
0x25: {  	[simem:s6], [sflag:s4] =	dma.local [hbm:s3], $0xF7A  }
0x26: {  	[smem:$0x3F9F] =	sst s1;
	(tag) =	ssettag s2;
	_ =	strace s9  }
0x27: {  	s1 =	sld [smem:$0x3FAF]  }
0x28: {  	s2 =	sld [smem:$0x3FB0]  }
0x29: {  	s4 =	sld [smem:$0x3FB2]  }
0x2a: {  	p0 =	seq.s32 s5, $0x0;
	s5 =	sld [smem:$0x3FB3]  }
0x2b: {  	s6 =	sld [smem:$0x3FB4]  }
0x2c: {  	s7 =	sld [smem:$0x3FB5]  }
0x2d: {  	s3 =	simm.s32 $0x108;
	s8 =	sld [smem:$0x3FB6]  }
0x2e: {  	s3 =	simm.s32 @!p0 $0x1082;
	s9 =	sld [smem:$0x3FB7]  }
0x2f: {  	lr =	sadd.s32 s0, s3;
	s0 =	sld [smem:$0x3FAE]  }
0x30: {  	s3 =	sld [smem:$0x3FB1]  }
0x31: {  	[smem:$0x3FBA] =	sst s10  }
0x32: {  	s10 =	sld [smem:$0x3FB8];
	_ =	sdelay $0x3  }
0x33: {  	p0 =	seq.s32 s10, $0x1;
	s10 =	sld [smem:$0x3FBA];
	_ =	sdelay $0x3  }
0x34: {  	[smem:$0x3FBA] =	sst s10  }
0x35: {  	s10 =	sld [smem:$0x3FB9];
	_ =	sdelay $0x3  }
0x36: {  	p1 =	seq.s32 s10, $0x1;
	s10 =	sld [smem:$0x3FBA];
	_ =	sdelay $0x3  }
0x37: {  	[smem:$0x3FBA] =	sst s10  }
0x38: {  	s10 =	sld [smem:$0x3FBB]  }
0x39: {  	_ = 	snop;
	(pc) =	sbr.ind lr, $3  }
0x3a: {  	_ = 	snop  }
0x3b: {  	_ = 	snop  }
0x3c: {  	p2 =	seq.s32 s10, $0x1;
	s10 =	sld [smem:$0x3FBA]  }
0x3d: {  	_ =	shalt  }
0x3e: {  	_ =	shalt  }
0x3f: {  	_ =	shalt  }
0x40: {  	_ =	shalt  }
0x41: {  	_ =	shalt  }
0x42: {  	_ =	shalt  }
0x43: {  	_ =	shalt  }
0x44: {  	_ =	shalt  }
0x45: {  	_ =	shalt  }
0x46: {  	_ =	shalt  }
0x47: {  	_ =	shalt  }
0x48: {  	_ =	shalt  }
0x49: {  	_ =	shalt  }
0x4a: {  	_ =	shalt  }
0x4b: {  	_ =	shalt  }
0x4c: {  	_ =	shalt  }
0x4d: {  	_ =	shalt  }
0x4e: {  	_ =	shalt  }
0x4f: {  	_ =	shalt  }
0x50: {  	_ =	shalt  }
0x51: {  	_ =	shalt  }
0x52: {  	_ =	shalt  }
0x53: {  	_ =	shalt  }
0x54: {  	_ =	shalt  }
0x55: {  	_ =	shalt  }
0x56: {  	_ =	shalt  }
0x57: {  	_ =	shalt  }
0x58: {  	_ =	shalt  }
0x59: {  	_ =	shalt  }
0x5a: {  	_ =	shalt  }
0x5b: {  	_ =	shalt  }
0x5c: {  	_ =	shalt  }
0x5d: {  	_ =	shalt  }
0x5e: {  	_ =	shalt  }
0x5f: {  	_ =	shalt  }
0x60: {  	_ =	shalt  }
0x61: {  	_ =	shalt  }
0x62: {  	_ =	shalt  }
0x63: {  	_ =	shalt  }
0x64: {  	_ =	shalt  }
0x65: {  	_ =	shalt  }
0x66: {  	_ =	shalt  }
0x67: {  	_ =	shalt  }
0x68: {  	_ =	shalt  }
0x69: {  	_ =	shalt  }
0x6a: {  	_ =	shalt  }
0x6b: {  	_ =	shalt  }
0x6c: {  	_ =	shalt  }
0x6d: {  	_ =	shalt  }
0x6e: {  	_ =	shalt  }
0x6f: {  	_ =	shalt  }
0x70: {  	_ =	shalt  }
0x71: {  	_ =	shalt  }
0x72: {  	_ =	shalt  }
0x73: {  	_ =	shalt  }
0x74: {  	_ =	shalt  }
0x75: {  	_ =	shalt  }
0x76: {  	_ =	shalt  }
0x77: {  	_ =	shalt  }
0x78: {  	_ =	shalt  }
0x79: {  	_ =	shalt  }
0x7a: {  	_ =	shalt  }
0x7b: {  	_ =	shalt  }
0x7c: {  	_ =	shalt  }
0x7d: {  	_ =	shalt  }
0x7e: {  	_ =	shalt  }
0x7f: {  	_ =	shalt  }
0x80: {  	_ =	shalt  }
0x81: {  	_ =	shalt  }
0x82: {  	_ =	shalt  }
0x83: {  	_ =	shalt  }
0x84: {  	_ =	shalt  }
0x85: {  	_ =	shalt  }
0x86: {  	_ =	shalt  }
0x87: {  	_ =	shalt  }
.Lfunc_end0:
.L_simem_size_0:
called_computation_lowered:
.L_overlay_start_0:
0x88: {  	s2 =	sld [smem:$0x3FD9]  }
0x89: {  	s3 =	sld [smem:$0x3FFE];
	_ =	sdelay $0x1  }
0x8a: {  	s1 =	srdreg.scid  }
0x8b: {  	s0 =	sand.u32 $0x1, s1  }
0x8c: {  	s18 =	sshll.u32 s0, $0xA;
	s2 =	sadd.s32 s3, s2  }
0x8d: {  	s2 =	sadd.s32 s2, s18  }
0x8e: {  	[smem:$0x3FC6] =	sst s2  }
0x8f: {  	_ = 	snop  }
0x90: {  	s2 =	sld [smem:$0x3FC9]  }
0x91: {  	s19 =	sld [smem:$0x3FC8]  }
0x92: {  	s4 =	sld [smem:$0x3FD0];
	(tm) =	ssettm $0x1  }
0x93: {  	s5 =	sld [smem:$0x3FFB];
	_ =	sdelay $0x3  }
0x94: {  	_ =	strace s5  }
0x95: {  	s5 =	sld [smem:$0x3FFC];
	_ =	sdelay $0x3  }
0x96: {  	_ =	strace s5  }
0x97: {  	s5 =	sld [smem:$0x3FFD];
	_ =	sdelay $0x3  }
0x98: {  	_ =	strace s5  }
0x99: {  	_ =	strace $0x8FFFFFFF  }
0x9a: {  	s20 =	sld [smem:$0x3FDB];
	_ =	sdelay $0x1  }
0x9b: {  	s6 =	simm.s32 $_scs_section_size  }
0x9c: {  	s7 =	simm.s32 $_size__tile_overlayer_lowered;
	s8 =	simm.s32 $_tile_overlayer_lowered  }
0x9d: {  	s23 =	simm.s32 $0x1BFF;
	s22 =	sshll.u32 s8, $0x1;
	s5 =	sadd.s32 s6, s20  }
0x9e: {  	s9 =	simm.s32 $0x0;
	s21 =	sshll.u32 s7, $0x1;
	s7 =	sadd.s32 s22, s5  }
0x9f: {  	[timem:s9], [sflag:s23] =	dma.local [hbm:s7], s21  }
0xa0: {  	_ =	swait.ge [sflag:s23], s21  }
0xa1: {  	s6 =	ssub.s32 $0x0, s21;
	[sflag:s23] =	ssyncset.done $0x0  }
0xa2: {  	[sflag:s23] =	ssyncadd.s32 s6;
	_ =	sdelay $0x1  }
0xa3: {  	s24 =	simm.s32 $0x1B8B  }
0xa4: {  	_ =	swait.ge [sflag:s24], $0x1  }
0xa5: {  	[sflag:s24] =	ssyncset.done $0x0  }
0xa6: {  	s25 =	simm.s32 $0x1B8E;
	[sflag:s24] =	ssyncadd.s32 $0xFFFFFFFF  }
0xa7: {  	s26 =	simm.s32 $execute0_lowered;
	[smem:$0x3FD2] =	sst s25  }
0xa8: {  	s6 =	sshll.u32 s26, $0x1;
	_ =	strace $0x80000046;
	[dreg:$0x1] =	wrdreg $0xFFFFFFFF  }
0xa9: {  	s28 =	simm.s32 $_size_execute0_lowered;
	s5 =	sadd.s32 s5, s6;
	[dreg:$0x0] =	wrdreg $0x0  }
0xaa: {  	s6 =	sshll.u32 s28, $0x1;
	[dreg:$0x2] =	wrdreg s5  }
0xab: {  	[dreg:$0x3] =	wrdreg s6  }
0xac: {  	[dreg:$0x4] =	wrdreg $0xC0  }
0xad: {  	_ =	task [dreg:s9], $0x5FFFF  }
0xae: {  	[dreg:$0x1] =	wrdreg $0xFFFFFFFF  }
0xaf: {  	[dreg:$0x0] =	wrdreg $0x60  }
0xb0: {  	[dreg:$0x2] =	wrdreg s2  }
0xb1: {  	[dreg:$0x3] =	wrdreg s19  }
0xb2: {  	[dreg:$0x4] =	wrdreg s4  }
0xb3: {  	[dreg:$0x5] =	wrdreg $0x9  }
0xb4: {  	_ =	task.clear_ibuf [dreg:s9], $0x6FFFF;
	_ =	strace $0x90000046  }
0xb5: {  	s29 =	simm.s32 $0x9;
	_ =	strace $0x80000048  }
0xb6: {  	_ =	swait.ge [sflag:s29], $0x1  }
0xb7: {  	[sflag:s29] =	ssyncadd.s32 $0xFFFFFFFF  }
0xb8: {  	_ =	strace $0x90000048  }
0xb9: {  	_ =	sfence  }
0xba: {  	s30 =	sld [smem:$0x0];
	_ =	sdelay $0x2  }
0xbb: {  	s31 =	sshll.u32 s1, $0xD;
	s1 =	sshrl.u32 s1, $0x2  }
0xbc: {  	s3 =	sand.u32 $0x4000, s31;
	s1 =	sadd.s32 s1, s30  }
0xbd: {  	s0 =	sor.u32 s3, s0;
	s1 =	sshll.u32 s1, $0x11  }
0xbe: {  	s0 =	sor.u32 s1, s0  }
0xbf: {  	s0 =	sadd.s32 $0x8F2B, s0  }
0xc0: {  	[sflag:s0] =	ssyncadd.remote.s32 $0x1  }
0xc1: {  	_ =	sfence.sel $0xFFFF  }
0xc2: {  	[dreg:$0x0] =	wrdreg $0xFFFFFFFF;
	(pc) =	sbr.abs _section_cstart, $3  }
0xc3: {  	[dreg:$0x1] =	wrdreg $0xFFFFFFFF  }
0xc4: {  	_ =	task.clear_ibuf [dreg:s9], $0x2FFFF;
	_ =	strace $0x9FFFFFFF  }
0xc5: {  	(tm) =	ssettm $0x7FFFFFFF  }
tec
execute0_lowered:
.L_overlay_start_1:
0x0: {  	(tag) =	ssettag $0x1  }
0x1: {  	s4 =	rddreg [dreg:$0x0]  }
0x2: {  	s1 =	rddreg [dreg:$0x1]  }
0x3: {  	s5 =	rddreg [dreg:$0x2]  }
0x4: {  	s0 =	rddreg [dreg:$0x3];
	s3 =	simm.s32 $0x0;
	s6 =	srdreg.scid  }
0x5: {  	s2 =	stileid.u32;
	s10 =	simm.s32 $0x80;
	s11 =	simm.s32 $0x1  }
0x6: {  	s12 =	simm.s32 $0x7400;
	s13 =	simm.s32 $0x0;
	s6 =	sand.u32 $0x1, s6  }
0x7: {  	[smem:$0x7FF] =	sst s3;
	s8 =	sshll.u32 s2, $0xA;
	s7 =	ssub.s32 $0x2, s6  }
0x8: {  	s6 =	sshll.u32 s6, $0x9;
	_ =	strace $0x80000047;
	s9 =	sshrl.u32 s7, $0x1  }
0x9: {  	s6 =	sor.u32 s6, s8;
	s8 =	simm.s32 $0x20000;
	s7 =	ssub.s32 s7, s9  }
0xa: {  	s4 =	sadd.s32 s4, s6;
	s6 =	sshrl.u32 s6, $0x3;
	s9 =	simm.s32 $0x2  }
0xb: {  	s5 =	sadd.s32 s5, s6;
	s6 =	smax.u32 s7, $0x1;
	s7 =	simm.s32 $0x1000  }
.LBB2_1:
0xc: {  	[tilespmem:s3], [sflag:$0x2] =	stream.strided.gather [hbm4b:s4+s7], $0x4000, s8, s7, $0x38;
	[tilespmem:$0x7600] =	vst v63  }
0xd: {  	s14 =	simm.s32 $0x4180;
	_ =	swait.ge [sflag:s9], $0x4000  }
0xe: {  	s17 =	sand.u32 $0x3000, s3;
	s18 =	sand.u32 $0x380, s3;
	[sflag:s9] =	ssyncset.done $0x0  }
0xf: {  	s15 =	simm.s32 $0x200;
	s16 =	simm.s32 $0x0;
	[sflag:s9] =	ssyncadd.s32 $0xFFFFC000  }
.LBB2_2:
0x10: {  	p0 =	sne.s32 s15, $0x3200;
	s19 =	sadd.s32 $0xFFFFFE80, s14;
	s17 =	sor.u32 s18, s17  }
0x11: {  	[tilespmem:s19], [sflag:$0x1] =	stream.indirect.gather [hbm4b:s1+s10], $0x1, s17, s10, $0xb8;
	[tilespmem:$0x7600] =	vst v63  }
0x12: {  	s18 =	sadd.s32 $0xFFFFFF00, s14;
	s20 =	smov.u32 s14;
	s19 =	sor.u32 $0x400, s17  }
0x13: {  	[tilespmem:s18], [sflag:$0x1] =	stream.indirect.gather [hbm4b:s1+s10], $0x1, s19, s10, $0xb8;
	[tilespmem:$0x7600] =	vst v63  }
.Ltmp0:
0x14: {  	s18 =	sadd.s32 $0xFFFFFF80, s14;
	s19 =	sor.u32 $0x800, s17;
	(pc) =	sbr.rel @p0 .LBB2_2-.Ltmp0, $4  }
0x15: {  	[tilespmem:s18], [sflag:$0x1] =	stream.indirect.gather [hbm4b:s1+s10], $0x1, s19, s10, $0xb8;
	[tilespmem:$0x7600] =	vst v63  }
0x16: {  	s16 =	sadd.s32 $0x80, s16;
	s17 =	sor.u32 $0xC00, s17;
	s14 =	sadd.s32 $0x200, s14  }
0x17: {  	[tilespmem:s20], [sflag:$0x1] =	stream.indirect.gather [hbm4b:s1+s10], $0x1, s17, s10, $0xb8;
	[tilespmem:$0x7600] =	vst v63  }
0x18: {  	s18 =	sand.u32 $0x380, s16;
	s17 =	sand.u32 $0x3000, s15;
	s15 =	sadd.s32 $0x200, s15  }
0x19: {  	s15 =	sadd.s32 $0xFFFFFE80, s14;
	s16 =	sor.u32 s18, s17  }
0x1a: {  	[tilespmem:s15], [sflag:$0x1] =	stream.indirect.gather [hbm4b:s1+s10], $0x1, s16, s10, $0xb8;
	[tilespmem:$0x7600] =	vst v63  }
0x1b: {  	s24 =	sadd.s32 $0xFFFFFF00, s14;
	s17 =	sor.u32 $0x400, s16  }
0x1c: {  	[tilespmem:s24], [sflag:$0x1] =	stream.indirect.gather [hbm4b:s1+s10], $0x1, s17, s10, $0xb8;
	[tilespmem:$0x7600] =	vst v63  }
0x1d: {  	s25 =	sadd.s32 $0xFFFFFF80, s14;
	s26 =	sor.u32 $0x800, s16  }
0x1e: {  	[tilespmem:s25], [sflag:$0x1] =	stream.indirect.gather [hbm4b:s1+s10], $0x1, s26, s10, $0xb8;
	[tilespmem:$0x7600] =	vst v63  }
0x1f: {  	s28 =	sor.u32 $0xC00, s16  }
0x20: {  	[tilespmem:s14], [sflag:$0x1] =	stream.indirect.gather [hbm4b:s1+s10], $0x1, s28, s10, $0xb8;
	[tilespmem:$0x7600] =	vst v63  }
0x21: {  	_ =	swait.ge [sflag:s11], $0x3400  }
0x22: {  	s29 =	simm.s32 $0x0;
	[sflag:s11] =	ssyncset.done $0x0  }
0x23: {  	s14 =	sand.u32 $0x1F0, s29;
	[sflag:s11] =	ssyncadd.s32 $0xFFFFCC00  }
0x24: {  	s30 =	simm.s32 $0x4000;
	v0 =	vld [tilespmem:s14+$0x4200]  }
0x25: {  	v1 =	vld [tilespmem:s30+$0x0];
	_ =	sdelay $0x1  }
0x26: {  	v2 =	vld [tilespmem:s14+$0x4400];
	_ =	sdelay $0x1  }
0x27: {  	v3 =	vld [tilespmem:s14+$0x4600]  }
0x28: {  	v0 =	vadd.f32 v0, v1  }
0x29: {  	v1 =	vld [tilespmem:s14+$0x4800]  }
0x2a: {  	v0 =	vadd.f32 v2, v0  }
0x2b: {  	v2 =	vld [tilespmem:s14+$0x4A00]  }
0x2c: {  	v0 =	vadd.f32 v3, v0  }
0x2d: {  	v3 =	vld [tilespmem:s14+$0x4C00]  }
0x2e: {  	v0 =	vadd.f32 v1, v0  }
0x2f: {  	v1 =	vld [tilespmem:s14+$0x4E00]  }
0x30: {  	v0 =	vadd.f32 v2, v0  }
0x31: {  	v2 =	vld [tilespmem:s14+$0x5000]  }
0x32: {  	v0 =	vadd.f32 v3, v0  }
0x33: {  	v3 =	vld [tilespmem:s14+$0x5200]  }
0x34: {  	v0 =	vadd.f32 v1, v0  }
0x35: {  	v1 =	vld [tilespmem:s14+$0x5400]  }
0x36: {  	v0 =	vadd.f32 v2, v0  }
0x37: {  	v2 =	vld [tilespmem:s14+$0x5600]  }
0x38: {  	v0 =	vadd.f32 v3, v0  }
0x39: {  	v3 =	vld [tilespmem:s14+$0x5800]  }
0x3a: {  	v0 =	vadd.f32 v1, v0  }
0x3b: {  	v1 =	vld [tilespmem:s14+$0x5A00]  }
0x3c: {  	v0 =	vadd.f32 v2, v0  }
0x3d: {  	v2 =	vld [tilespmem:s14+$0x5C00]  }
0x3e: {  	v0 =	vadd.f32 v3, v0  }
0x3f: {  	v3 =	vld [tilespmem:s14+$0x5E00]  }
0x40: {  	v0 =	vadd.f32 v1, v0  }
0x41: {  	v1 =	vld [tilespmem:s14+$0x6000]  }
0x42: {  	v0 =	vadd.f32 v2, v0  }
0x43: {  	v2 =	vld [tilespmem:s14+$0x6200]  }
0x44: {  	v0 =	vadd.f32 v3, v0  }
0x45: {  	v3 =	vld [tilespmem:s14+$0x6400]  }
0x46: {  	v0 =	vadd.f32 v1, v0  }
0x47: {  	v1 =	vld [tilespmem:s14+$0x6600]  }
0x48: {  	v0 =	vadd.f32 v2, v0  }
0x49: {  	v2 =	vld [tilespmem:s14+$0x6800]  }
0x4a: {  	v0 =	vadd.f32 v3, v0  }
0x4b: {  	v3 =	vld [tilespmem:s14+$0x6A00]  }
0x4c: {  	v0 =	vadd.f32 v1, v0  }
0x4d: {  	v1 =	vld [tilespmem:s14+$0x6C00]  }
0x4e: {  	v0 =	vadd.f32 v2, v0  }
0x4f: {  	v2 =	vld [tilespmem:s14+$0x6E00]  }
0x50: {  	v0 =	vadd.f32 v3, v0  }
0x51: {  	v3 =	vld [tilespmem:s14+$0x7000]  }
0x52: {  	v0 =	vadd.f32 v1, v0  }
0x53: {  	v1 =	vld [tilespmem:s14+$0x7200]  }
0x54: {  	v0 =	vadd.f32 v2, v0;
	_ =	sdelay $0x1  }
0x55: {  	v0 =	vadd.f32 v3, v0;
	_ =	sdelay $0x1  }
0x56: {  	v0 =	vadd.f32 v1, v0  }
0x57: {  	s31 =	simm.s32 $0x10;
	s14 =	simm.s32 $0x7400  }
0x58: {  	s15 =	sand.u32 $0x1F0, s31;
	[tilespmem:s14+$0x0] =	vst v0  }
0x59: {  	s16 =	simm.s32 $0x4010;
	s17 =	simm.s32 $0x20;
	v0 =	vld [tilespmem:s15+$0x4200]  }
.LBB2_4:
0x5a: {  	p0 =	sne.s32 s17, $0x1F0;
	v1 =	vld [tilespmem:s16+$0x0];
	_ =	sdelay $0x1  }
0x5b: {  	v2 =	vld [tilespmem:s15+$0x4400];
	_ =	sdelay $0x1  }
0x5c: {  	v3 =	vld [tilespmem:s15+$0x4600]  }
0x5d: {  	v0 =	vadd.f32 v0, v1  }
0x5e: {  	v1 =	vld [tilespmem:s15+$0x4800]  }
0x5f: {  	v0 =	vadd.f32 v2, v0  }
0x60: {  	v2 =	vld [tilespmem:s15+$0x4A00]  }
0x61: {  	v0 =	vadd.f32 v3, v0  }
0x62: {  	v3 =	vld [tilespmem:s15+$0x4C00]  }
0x63: {  	v0 =	vadd.f32 v1, v0  }
0x64: {  	v1 =	vld [tilespmem:s15+$0x4E00]  }
0x65: {  	v0 =	vadd.f32 v2, v0  }
0x66: {  	v2 =	vld [tilespmem:s15+$0x5000]  }
0x67: {  	v0 =	vadd.f32 v3, v0  }
0x68: {  	v3 =	vld [tilespmem:s15+$0x5200]  }
0x69: {  	v0 =	vadd.f32 v1, v0  }
0x6a: {  	v1 =	vld [tilespmem:s15+$0x5400]  }
0x6b: {  	v0 =	vadd.f32 v2, v0  }
0x6c: {  	v2 =	vld [tilespmem:s15+$0x5600]  }
0x6d: {  	v0 =	vadd.f32 v3, v0  }
0x6e: {  	v3 =	vld [tilespmem:s15+$0x5800]  }
0x6f: {  	v0 =	vadd.f32 v1, v0  }
0x70: {  	v1 =	vld [tilespmem:s15+$0x5A00]  }
0x71: {  	v0 =	vadd.f32 v2, v0  }
0x72: {  	v2 =	vld [tilespmem:s15+$0x5C00]  }
0x73: {  	v0 =	vadd.f32 v3, v0  }
0x74: {  	v3 =	vld [tilespmem:s15+$0x5E00]  }
0x75: {  	v0 =	vadd.f32 v1, v0  }
0x76: {  	v1 =	vld [tilespmem:s15+$0x6000]  }
0x77: {  	v0 =	vadd.f32 v2, v0  }
0x78: {  	v2 =	vld [tilespmem:s15+$0x6200]  }
0x79: {  	v0 =	vadd.f32 v3, v0  }
0x7a: {  	v3 =	vld [tilespmem:s15+$0x6400]  }
0x7b: {  	v0 =	vadd.f32 v1, v0  }
0x7c: {  	v1 =	vld [tilespmem:s15+$0x6600]  }
0x7d: {  	v0 =	vadd.f32 v2, v0  }
0x7e: {  	v2 =	vld [tilespmem:s15+$0x6800]  }
0x7f: {  	v0 =	vadd.f32 v3, v0  }
0x80: {  	v3 =	vld [tilespmem:s15+$0x6A00]  }
0x81: {  	v0 =	vadd.f32 v1, v0  }
0x82: {  	v1 =	vld [tilespmem:s15+$0x6C00]  }
0x83: {  	v0 =	vadd.f32 v2, v0  }
0x84: {  	v2 =	vld [tilespmem:s15+$0x6E00]  }
0x85: {  	v0 =	vadd.f32 v3, v0  }
0x86: {  	v3 =	vld [tilespmem:s15+$0x7000]  }
0x87: {  	v0 =	vadd.f32 v1, v0  }
0x88: {  	v1 =	vld [tilespmem:s15+$0x7200]  }
0x89: {  	v0 =	vadd.f32 v2, v0;
	_ =	sdelay $0x1  }
0x8a: {  	v0 =	vadd.f32 v3, v0  }
.Ltmp1:
0x8b: {  	(pc) =	sbr.rel @p0 .LBB2_4-.Ltmp1, $4  }
0x8c: {  	v0 =	vadd.f32 v1, v0  }
0x8d: {  	s14 =	sadd.s32 $0x10, s14  }
0x8e: {  	s15 =	sand.u32 $0x1F0, s17;
	[tilespmem:s14+$0x0] =	vst v0  }
0x8f: {  	s16 =	sadd.s32 $0x10, s16;
	s17 =	sadd.s32 $0x10, s17;
	v0 =	vld [tilespmem:s15+$0x4200]  }
0x90: {  	v1 =	vld [tilespmem:s16+$0x0];
	_ =	sdelay $0x1  }
0x91: {  	v2 =	vld [tilespmem:s15+$0x4400];
	_ =	sdelay $0x1  }
0x92: {  	v3 =	vld [tilespmem:s15+$0x4600]  }
0x93: {  	v0 =	vadd.f32 v0, v1  }
0x94: {  	v42 =	vld [tilespmem:s15+$0x4800]  }
0x95: {  	v0 =	vadd.f32 v2, v0  }
0x96: {  	v43 =	vld [tilespmem:s15+$0x4A00]  }
0x97: {  	v0 =	vadd.f32 v3, v0  }
0x98: {  	v44 =	vld [tilespmem:s15+$0x4C00]  }
0x99: {  	v0 =	vadd.f32 v42, v0  }
0x9a: {  	v45 =	vld [tilespmem:s15+$0x4E00]  }
0x9b: {  	v0 =	vadd.f32 v43, v0  }
0x9c: {  	v46 =	vld [tilespmem:s15+$0x5000]  }
0x9d: {  	v0 =	vadd.f32 v44, v0  }
0x9e: {  	v47 =	vld [tilespmem:s15+$0x5200]  }
0x9f: {  	v0 =	vadd.f32 v45, v0  }
0xa0: {  	v48 =	vld [tilespmem:s15+$0x5400]  }
0xa1: {  	v0 =	vadd.f32 v46, v0  }
0xa2: {  	v49 =	vld [tilespmem:s15+$0x5600]  }
0xa3: {  	v0 =	vadd.f32 v47, v0  }
0xa4: {  	v50 =	vld [tilespmem:s15+$0x5800]  }
0xa5: {  	v0 =	vadd.f32 v48, v0  }
0xa6: {  	v51 =	vld [tilespmem:s15+$0x5A00]  }
0xa7: {  	v0 =	vadd.f32 v49, v0  }
0xa8: {  	v52 =	vld [tilespmem:s15+$0x5C00]  }
0xa9: {  	v0 =	vadd.f32 v50, v0  }
0xaa: {  	v53 =	vld [tilespmem:s15+$0x5E00]  }
0xab: {  	v0 =	vadd.f32 v51, v0  }
0xac: {  	v54 =	vld [tilespmem:s15+$0x6000]  }
0xad: {  	v0 =	vadd.f32 v52, v0  }
0xae: {  	v55 =	vld [tilespmem:s15+$0x6200]  }
0xaf: {  	v0 =	vadd.f32 v53, v0  }
0xb0: {  	v56 =	vld [tilespmem:s15+$0x6400]  }
0xb1: {  	v0 =	vadd.f32 v54, v0  }
0xb2: {  	v57 =	vld [tilespmem:s15+$0x6600]  }
0xb3: {  	v0 =	vadd.f32 v55, v0  }
0xb4: {  	v58 =	vld [tilespmem:s15+$0x6800]  }
0xb5: {  	v0 =	vadd.f32 v56, v0  }
0xb6: {  	v59 =	vld [tilespmem:s15+$0x6A00]  }
0xb7: {  	v0 =	vadd.f32 v57, v0  }
0xb8: {  	v60 =	vld [tilespmem:s15+$0x6C00]  }
0xb9: {  	v0 =	vadd.f32 v58, v0  }
0xba: {  	v61 =	vld [tilespmem:s15+$0x6E00]  }
0xbb: {  	v0 =	vadd.f32 v59, v0  }
0xbc: {  	v62 =	vld [tilespmem:s15+$0x7000]  }
0xbd: {  	v0 =	vadd.f32 v60, v0  }
0xbe: {  	v63 =	vld [tilespmem:s15+$0x7200]  }
0xbf: {  	v0 =	vadd.f32 v61, v0;
	_ =	sdelay $0x1  }
0xc0: {  	v0 =	vadd.f32 v62, v0;
	_ =	sdelay $0x1  }
0xc1: {  	s13 =	sadd.s32 $0x1, s13;
	v0 =	vadd.f32 v63, v0  }
0xc2: {  	s14 =	sadd.s32 $0x10, s14;
	p0 =	sne.s32 s13, s6  }
.Ltmp2:
0xc3: {  	[tilespmem:s14+$0x0] =	vst v0;
	(pc) =	sbr.rel @p0 .LBB2_1-.Ltmp2, $4  }
0xc4: {  	[hbm4b:s5+s3] =	stream.linear.scatter [tilespmem:s12], [sflag:$0x2], $0x200, $0x38;
	[tilespmem:$0x7600] =	vst v63  }
0xc5: {  	_ =	swait.ge [sflag:s9], $0x200  }
0xc6: {  	[sflag:s9] =	ssyncset.done $0x0  }
0xc7: {  	[sflag:s9] =	ssyncadd.s32 $0xFFFFFE00  }
0xc8: {  	_ =	sfence.sel $0x180000  }
0xc9: {  	[bflag:$0x0] =	sbarrier.arrive $0xFFFF  }
0xca: {  	p0 =	sne.s32 s2, $0x0;
	_ =	strace $0x90000047  }
0xcb: {  	s0 =	sadd.s32 @!p0 $0x100000, s0;
	[bflag:$0x2] =	sbarrier.arrive $0xFFFF  }
0xcc: {  	[sflag:s0] =	ssyncadd.tile.s32 @!p0 $0x1;
	_ =	shalt  }
.Lfunc_end2:
_tile_overlayer_lowered:
.L_overlay_start_2:
0xcd: {  	(tag) =	ssettag $0x2  }
0xce: {  	s0 =	rddreg [dreg:$0x0];
	s2 =	stileid.u32  }
0xcf: {  	s1 =	rddreg [dreg:$0x1];
	p0 =	sne.s32 s2, $0x0  }
0xd0: {  	s3 =	rddreg [dreg:$0x2];
	[bflag:$0x3] =	sbarrier.arrive $0xFFFF;
	s2 =	simm.s32 @!p0 $0x1C02  }
0xd1: {  	[timem:s3], [sflag:s2] =	dma.local @!p0 [hbm:s0], s1  }
0xd2: {  	s0 =	simm.s32 @!p0 $0x2  }
0xd3: {  	_ =	swait.ge @!p0 [sflag:s0], s1  }
0xd4: {  	s1 =	ssub.s32 @!p0 $0x0, s1;
	[sflag:s0] =	ssyncset.done @!p0 $0x0  }
0xd5: {  	[sflag:s0] =	ssyncadd.s32 @!p0 s1  }
0xd6: {  	[bflag:$0x3] =	sbarrier.arrive $0xFFFF  }
0xd7: {  	_ =	shalt  }

</sc_bundles>
